<compile_context>
chip_gen: v7x
topology: tpu7x:2x2x1
jax: 0.10.2.dev20260603
libtpu: 0.0.44.dev20260713+nightly
codegen_flags: <defaults>
</compile_context>

<pallas_src>
import functools

import jax
import jax.numpy as jnp
from jax import lax
from jax.experimental import pallas as pl
from jax.experimental.pallas import tpu as pltpu
from jax.experimental.pallas import tpu_sc as plsc


def _add_row_kernel(x_ref, w_ref, o_ref):
    o_ref[...] = x_ref[...] + w_ref[...]


def _kernel_tc(x, W):
    B, L, D = x.shape
    patch = L // 3
    xr = x.reshape(B * 3, patch, D)
    Wr = W.reshape(3, 1, D)

    BL = 2048
    grid = (B * 3, patch // BL)

    out = pl.pallas_call(
        _add_row_kernel,
        grid=grid,
        in_specs=[
            pl.BlockSpec((1, BL, D), lambda i, j: (i, j, 0)),
            pl.BlockSpec((1, 1, D), lambda i, j: (i % 3, 0, 0)),
        ],
        out_specs=pl.BlockSpec((1, BL, D), lambda i, j: (i, j, 0)),
        out_shape=jax.ShapeDtypeStruct((B * 3, patch, D), x.dtype),
    )(xr, Wr)
    return out.reshape(B, L, D)


_NW = 32
_CH = 32


def _kernel_sc(x, W):
    B, L, D = x.shape
    patch = L // 3
    R = B * L
    band = patch // _NW
    nchunk = band // _CH
    xf = x.reshape(R * D)
    wf = W.reshape(3 * D)

    mesh = plsc.VectorSubcoreMesh(core_axis_name="c", subcore_axis_name="s")

    @functools.partial(
        pl.kernel,
        mesh=mesh,
        out_type=jax.ShapeDtypeStruct((R * D,), jnp.float32),
        scratch_types=[
            pltpu.VMEM((3 * D,), jnp.float32),
            pltpu.VMEM((_CH * D,), jnp.float32),
        ],
    )
    def sc_add(x_hbm, w_hbm, o_hbm, w_v, acc_v):
        wid = lax.axis_index("s") * 2 + lax.axis_index("c")
        pltpu.sync_copy(w_hbm, w_v)
        for seg in range(3):
            @pl.loop(0, B * nchunk)
            def _chunks(k):
                b = k // nchunk
                c = lax.rem(k, nchunk)
                row0 = (b * 3 + seg) * patch + wid * band + c * _CH
                base = row0 * D
                pltpu.sync_copy(x_hbm.at[pl.ds(base, _CH * D)], acc_v)

                @plsc.parallel_loop(0, _CH * (D // 16), unroll=8)
                def _add(i):
                    j = lax.rem(i, D // 16)
                    sl = pl.ds(i * 16, 16)
                    acc_v[sl] = acc_v[sl] + w_v[pl.ds(seg * D + j * 16, 16)]

                pltpu.sync_copy(acc_v, o_hbm.at[pl.ds(base, _CH * D)])

    out = sc_add(xf, wf)
    return out.reshape(B, L, D)


_B_SC = 1


def kernel(x, W):
    B = x.shape[0]
    out_tc = _kernel_tc(x[: B - _B_SC], W)
    out_sc = _kernel_sc(x[B - _B_SC :], W)
    return jnp.concatenate([out_tc, out_sc], axis=0)

# --- scband reference (transcript-rebuilt; emitter-appended) ---
"""Pipeline reference for scband-img-position-encoding-10608569221467 (READ-ONLY COPY).

The authoritative reference and input builder live on the scoring server;
editing this copy changes nothing except your own understanding.
"""

import jax, jax.numpy as jnp
import numpy as np


def setup_inputs(seed: int = 0) -> dict:
    key = jax.random.key(seed)
    k1, k2 = jax.random.split(key)
    B, L, D = 8, 6144, 1024
    x = jax.random.normal(k1, (B, L, D), dtype=jnp.float32)
    W = jax.random.normal(k2, (3, D), dtype=jnp.float32)  # img_embedding table (3 rows)
    return {"x": x, "W": W}


def reference(x, W):
    # Faithful translation of ImgPositionEncoding.forward with dropout p=0.0 (identity).
    B, L, D = x.shape
    patchLen = L // 3
    img1 = jnp.zeros((B, patchLen), dtype=jnp.int32)
    img2 = jnp.ones((B, patchLen), dtype=jnp.int32)
    diff = jnp.full((B, patchLen), 2, dtype=jnp.int32)
    img_position = jnp.concatenate((img1, img2, diff), axis=-1)  # [B, L]
    img_embs = jnp.take(W, img_position, axis=0)  # embedding lookup -> [B, L, D]
    out = x + img_embs
    return out

if __name__ == "__main__":
    import jax
    _d = setup_inputs()
    print(jax.jit(kernel)(*tuple(_d.values())))

</pallas_src>

<mosaic_0001>
#map = affine_map<(d0, d1) -> (0)>
module attributes {stable_mosaic.version = 14 : i64} {
  func.func @sc_add(%arg0: i32, %arg1: i32, %arg2: memref<6291456xf32, #tpu.memory_space<hbm>>, %arg3: memref<3072xf32, #tpu.memory_space<hbm>>, %arg4: memref<6291456xf32, #tpu.memory_space<hbm>>, %arg5: memref<3072xf32, #tpu.memory_space<vmem>>, %arg6: memref<32768xf32, #tpu.memory_space<vmem>>) attributes {dimension_semantics = [#tpu.dimension_semantics<core_parallel>, #tpu.dimension_semantics<subcore_parallel>], iteration_bounds = array<i64: 2, 16>, scalar_prefetch = 0 : i64, scratch_operands = 2 : i64, tpu.core_type = #tpu.core_type<sc_vector_subcore>, window_params = [{transform_indices = #map}, {transform_indices = #map}, {transform_indices = #map}]} {
    %mul3A = arith.constant 2 : i32
    %mul3A_0 = arith.muli %arg1, %mul3A : i32
    %add3A = arith.addi %mul3A_0, %arg0 : i32
    "tpu.region"() ({
      %run_scoped3A = tpu.sem_alloc : memref<!tpu.dma_semaphore, #tpu.memory_space<semaphore_mem>>
      tpu.enqueue_dma source(%arg3 : memref<3072xf32, #tpu.memory_space<hbm>>) target(%arg5 : memref<3072xf32, #tpu.memory_space<vmem>>) target_semaphore(%run_scoped3A : memref<!tpu.dma_semaphore, #tpu.memory_space<semaphore_mem>>)
      tpu.wait_dma2 semaphore(%run_scoped3A : memref<!tpu.dma_semaphore, #tpu.memory_space<semaphore_mem>>) src(%arg3 : memref<3072xf32, #tpu.memory_space<hbm>>) dst(%arg5 : memref<3072xf32, #tpu.memory_space<vmem>>)
      tpu.yield
    }) : () -> ()
    %scan3A = arith.constant 0 : i32
    %scan3A_1 = arith.constant 2 : i32
    %scan3A_2 = arith.addi %scan3A, %scan3A_1 : i32
    %scan3A_3 = arith.constant 1 : i32
    scf.for %scan3A_15 = %scan3A to %scan3A_2 step %scan3A_3  : i32 {
      %mul3A_16 = arith.constant 1 : i32
      %mul3A_17 = arith.muli %scan3A_15, %mul3A_16 : i32
      %add3A_18 = arith.constant 0 : i32
      %add3A_19 = arith.addi %add3A_18, %mul3A_17 : i32
      %jit3A = arith.constant 2 : i32
      %div3A = arith.divsi %add3A_19, %jit3A : i32
      %sign3A = arith.constant 0 : i32
      %sign3A_20 = arith.cmpi sgt, %add3A_19, %sign3A : i32
      %sign3A_21 = arith.extui %sign3A_20 : i1 to i32
      %sign3A_22 = arith.constant 0 : i32
      %sign3A_23 = arith.cmpi slt, %add3A_19, %sign3A_22 : i32
      %sign3A_24 = arith.extui %sign3A_23 : i1 to i32
      %sign3A_25 = arith.subi %sign3A_21, %sign3A_24 : i32
      %sign3A_26 = arith.constant 0 : i32
      %sign3A_27 = arith.cmpi sgt, %jit3A, %sign3A_26 : i32
      %sign3A_28 = arith.extui %sign3A_27 : i1 to i32
      %sign3A_29 = arith.constant 0 : i32
      %sign3A_30 = arith.cmpi slt, %jit3A, %sign3A_29 : i32
      %sign3A_31 = arith.extui %sign3A_30 : i1 to i32
      %sign3A_32 = arith.subi %sign3A_28, %sign3A_31 : i32
      %ne3A = arith.cmpi ne, %sign3A_25, %sign3A_32 : i32
      %rem3A = arith.remsi %add3A_19, %jit3A : i32
      %ne3A_33 = arith.constant 0 : i32
      %ne3A_34 = arith.cmpi ne, %rem3A, %ne3A_33 : i32
      %and3A = arith.andi %ne3A, %ne3A_34 : i1
      %sub3A = arith.constant 1 : i32
      %sub3A_35 = arith.subi %div3A, %sub3A : i32
      %select_n3A = arith.select %and3A, %sub3A_35, %div3A : i32
      %rem3A_36 = arith.constant 2 : i32
      %rem3A_37 = arith.remsi %add3A_19, %rem3A_36 : i32
      %mul3A_38 = arith.constant 3 : i32
      %mul3A_39 = arith.muli %select_n3A, %mul3A_38 : i32
      %add3A_40 = arith.constant 0 : i32
      %add3A_41 = arith.addi %mul3A_39, %add3A_40 : i32
      %mul3A_42 = arith.constant 2048 : i32
      %mul3A_43 = arith.muli %add3A_41, %mul3A_42 : i32
      %mul3A_44 = arith.constant 64 : i32
      %mul3A_45 = arith.muli %add3A, %mul3A_44 : i32
      %add3A_46 = arith.addi %mul3A_43, %mul3A_45 : i32
      %mul3A_47 = arith.constant 32 : i32
      %mul3A_48 = arith.muli %rem3A_37, %mul3A_47 : i32
      %add3A_49 = arith.addi %add3A_46, %mul3A_48 : i32
      %mul3A_50 = arith.constant 1024 : i32
      %mul3A_51 = arith.muli %add3A_49, %mul3A_50 : i32
      "tpu.region"() ({
        %run_scoped3A = tpu.sem_alloc : memref<!tpu.dma_semaphore, #tpu.memory_space<semaphore_mem>>
        %dma_start3A = tpu.memref_slice %arg2[%mul3A_51] : memref<6291456xf32, #tpu.memory_space<hbm>> -> memref<32768xf32, #tpu.memory_space<hbm>>
        %dma_start3A_54 = tpu.memref_slice %arg2[%mul3A_51] : memref<6291456xf32, #tpu.memory_space<hbm>> -> memref<32768xf32, #tpu.memory_space<hbm>>
        tpu.enqueue_dma source(%dma_start3A_54 : memref<32768xf32, #tpu.memory_space<hbm>>) target(%arg6 : memref<32768xf32, #tpu.memory_space<vmem>>) target_semaphore(%run_scoped3A : memref<!tpu.dma_semaphore, #tpu.memory_space<semaphore_mem>>)
        %dma_wait3A = tpu.memref_slice %arg2[%mul3A_51] : memref<6291456xf32, #tpu.memory_space<hbm>> -> memref<32768xf32, #tpu.memory_space<hbm>>
        %dma_wait3A_55 = tpu.memref_slice %arg2[%mul3A_51] : memref<6291456xf32, #tpu.memory_space<hbm>> -> memref<32768xf32, #tpu.memory_space<hbm>>
        tpu.wait_dma2 semaphore(%run_scoped3A : memref<!tpu.dma_semaphore, #tpu.memory_space<semaphore_mem>>) src(%dma_wait3A_55 : memref<32768xf32, #tpu.memory_space<hbm>>) dst(%arg6 : memref<32768xf32, #tpu.memory_space<vmem>>)
        tpu.yield
      }) : () -> ()
      %parallel_loop3A = arith.constant 0 : i32
      %parallel_loop3A_52 = arith.constant 2048 : i32
      %parallel_loop3A_53 = arith.constant 1 : i32
      scf.for %parallel_loop3A_54 = %parallel_loop3A to %parallel_loop3A_52 step %parallel_loop3A_53  : i32 {
        %parallel_loop3A_55 = arith.constant 64 : i32
        %parallel_loop3A_56 = arith.remsi %parallel_loop3A_54, %parallel_loop3A_55 : i32
        %parallel_loop3A_57 = arith.constant 16 : i32
        %parallel_loop3A_58 = arith.muli %parallel_loop3A_54, %parallel_loop3A_57 : i32
        %parallel_loop3A_59 = arith.index_cast %parallel_loop3A_58 : i32 to index
        %parallel_loop3A_60 = tpu.vector_load %arg6[%parallel_loop3A_59] {strides = array<i32>} : memref<32768xf32, #tpu.memory_space<vmem>>, vector<16xf32>,
        %parallel_loop3A_61 = vector.shape_cast %parallel_loop3A_60 : vector<16xf32> to vector<16xf32>
        %parallel_loop3A_62 = arith.constant 16 : i32
        %parallel_loop3A_63 = arith.muli %parallel_loop3A_56, %parallel_loop3A_62 : i32
        %parallel_loop3A_64 = arith.constant 0 : i32
        %parallel_loop3A_65 = arith.addi %parallel_loop3A_64, %parallel_loop3A_63 : i32
        %parallel_loop3A_66 = arith.index_cast %parallel_loop3A_65 : i32 to index
        %parallel_loop3A_67 = tpu.vector_load %arg5[%parallel_loop3A_66] {strides = array<i32>} : memref<3072xf32, #tpu.memory_space<vmem>>, vector<16xf32>,
        %parallel_loop3A_68 = vector.shape_cast %parallel_loop3A_67 : vector<16xf32> to vector<16xf32>
        %parallel_loop3A_69 = arith.addf %parallel_loop3A_61, %parallel_loop3A_68 : vector<16xf32>
        %parallel_loop3A_70 = arith.index_cast %parallel_loop3A_58 : i32 to index
        %parallel_loop3A_71 = tpu.vector_load %arg6[%parallel_loop3A_70] {strides = array<i32>} : memref<32768xf32, #tpu.memory_space<vmem>>, vector<16xf32>,
        %parallel_loop3A_72 = vector.shape_cast %parallel_loop3A_71 : vector<16xf32> to vector<16xf32>
        %parallel_loop3A_73 = vector.shape_cast %parallel_loop3A_69 : vector<16xf32> to vector<16xf32>
        tpu.vector_store %arg6[%parallel_loop3A_70], %parallel_loop3A_73 {strides = array<i32>} : memref<32768xf32, #tpu.memory_space<vmem>>, vector<16xf32>,
      } {sc.loop_unroll_factor = 8 : i64, sc.parallel_access}
      "tpu.region"() ({
        %run_scoped3A = tpu.sem_alloc : memref<!tpu.dma_semaphore, #tpu.memory_space<semaphore_mem>>
        %dma_start3A = tpu.memref_slice %arg4[%mul3A_51] : memref<6291456xf32, #tpu.memory_space<hbm>> -> memref<32768xf32, #tpu.memory_space<hbm>>
        %dma_start3A_54 = tpu.memref_slice %arg4[%mul3A_51] : memref<6291456xf32, #tpu.memory_space<hbm>> -> memref<32768xf32, #tpu.memory_space<hbm>>
        tpu.enqueue_dma source(%arg6 : memref<32768xf32, #tpu.memory_space<vmem>>) target(%dma_start3A_54 : memref<32768xf32, #tpu.memory_space<hbm>>) target_semaphore(%run_scoped3A : memref<!tpu.dma_semaphore, #tpu.memory_space<semaphore_mem>>)
        %dma_wait3A = tpu.memref_slice %arg4[%mul3A_51] : memref<6291456xf32, #tpu.memory_space<hbm>> -> memref<32768xf32, #tpu.memory_space<hbm>>
        %dma_wait3A_55 = tpu.memref_slice %arg4[%mul3A_51] : memref<6291456xf32, #tpu.memory_space<hbm>> -> memref<32768xf32, #tpu.memory_space<hbm>>
        tpu.wait_dma2 semaphore(%run_scoped3A : memref<!tpu.dma_semaphore, #tpu.memory_space<semaphore_mem>>) src(%arg6 : memref<32768xf32, #tpu.memory_space<vmem>>) dst(%dma_wait3A_55 : memref<32768xf32, #tpu.memory_space<hbm>>)
        tpu.yield
      }) : () -> ()
    }
    %scan3A_4 = arith.constant 2 : i32
    %scan3A_5 = arith.constant 0 : i32
    %scan3A_6 = arith.constant 2 : i32
    %scan3A_7 = arith.addi %scan3A_5, %scan3A_6 : i32
    %scan3A_8 = arith.constant 1 : i32
    scf.for %scan3A_15 = %scan3A_5 to %scan3A_7 step %scan3A_8  : i32 {
      %mul3A_16 = arith.constant 1 : i32
      %mul3A_17 = arith.muli %scan3A_15, %mul3A_16 : i32
      %add3A_18 = arith.constant 0 : i32
      %add3A_19 = arith.addi %add3A_18, %mul3A_17 : i32
      %jit3A = arith.constant 2 : i32
      %div3A = arith.divsi %add3A_19, %jit3A : i32
      %sign3A = arith.constant 0 : i32
      %sign3A_20 = arith.cmpi sgt, %add3A_19, %sign3A : i32
      %sign3A_21 = arith.extui %sign3A_20 : i1 to i32
      %sign3A_22 = arith.constant 0 : i32
      %sign3A_23 = arith.cmpi slt, %add3A_19, %sign3A_22 : i32
      %sign3A_24 = arith.extui %sign3A_23 : i1 to i32
      %sign3A_25 = arith.subi %sign3A_21, %sign3A_24 : i32
      %sign3A_26 = arith.constant 0 : i32
      %sign3A_27 = arith.cmpi sgt, %jit3A, %sign3A_26 : i32
      %sign3A_28 = arith.extui %sign3A_27 : i1 to i32
      %sign3A_29 = arith.constant 0 : i32
      %sign3A_30 = arith.cmpi slt, %jit3A, %sign3A_29 : i32
      %sign3A_31 = arith.extui %sign3A_30 : i1 to i32
      %sign3A_32 = arith.subi %sign3A_28, %sign3A_31 : i32
      %ne3A = arith.cmpi ne, %sign3A_25, %sign3A_32 : i32
      %rem3A = arith.remsi %add3A_19, %jit3A : i32
      %ne3A_33 = arith.constant 0 : i32
      %ne3A_34 = arith.cmpi ne, %rem3A, %ne3A_33 : i32
      %and3A = arith.andi %ne3A, %ne3A_34 : i1
      %sub3A = arith.constant 1 : i32
      %sub3A_35 = arith.subi %div3A, %sub3A : i32
      %select_n3A = arith.select %and3A, %sub3A_35, %div3A : i32
      %rem3A_36 = arith.constant 2 : i32
      %rem3A_37 = arith.remsi %add3A_19, %rem3A_36 : i32
      %mul3A_38 = arith.constant 3 : i32
      %mul3A_39 = arith.muli %select_n3A, %mul3A_38 : i32
      %add3A_40 = arith.constant 1 : i32
      %add3A_41 = arith.addi %mul3A_39, %add3A_40 : i32
      %mul3A_42 = arith.constant 2048 : i32
      %mul3A_43 = arith.muli %add3A_41, %mul3A_42 : i32
      %mul3A_44 = arith.constant 64 : i32
      %mul3A_45 = arith.muli %add3A, %mul3A_44 : i32
      %add3A_46 = arith.addi %mul3A_43, %mul3A_45 : i32
      %mul3A_47 = arith.constant 32 : i32
      %mul3A_48 = arith.muli %rem3A_37, %mul3A_47 : i32
      %add3A_49 = arith.addi %add3A_46, %mul3A_48 : i32
      %mul3A_50 = arith.constant 1024 : i32
      %mul3A_51 = arith.muli %add3A_49, %mul3A_50 : i32
      "tpu.region"() ({
        %run_scoped3A = tpu.sem_alloc : memref<!tpu.dma_semaphore, #tpu.memory_space<semaphore_mem>>
        %dma_start3A = tpu.memref_slice %arg2[%mul3A_51] : memref<6291456xf32, #tpu.memory_space<hbm>> -> memref<32768xf32, #tpu.memory_space<hbm>>
        %dma_start3A_54 = tpu.memref_slice %arg2[%mul3A_51] : memref<6291456xf32, #tpu.memory_space<hbm>> -> memref<32768xf32, #tpu.memory_space<hbm>>
        tpu.enqueue_dma source(%dma_start3A_54 : memref<32768xf32, #tpu.memory_space<hbm>>) target(%arg6 : memref<32768xf32, #tpu.memory_space<vmem>>) target_semaphore(%run_scoped3A : memref<!tpu.dma_semaphore, #tpu.memory_space<semaphore_mem>>)
        %dma_wait3A = tpu.memref_slice %arg2[%mul3A_51] : memref<6291456xf32, #tpu.memory_space<hbm>> -> memref<32768xf32, #tpu.memory_space<hbm>>
        %dma_wait3A_55 = tpu.memref_slice %arg2[%mul3A_51] : memref<6291456xf32, #tpu.memory_space<hbm>> -> memref<32768xf32, #tpu.memory_space<hbm>>
        tpu.wait_dma2 semaphore(%run_scoped3A : memref<!tpu.dma_semaphore, #tpu.memory_space<semaphore_mem>>) src(%dma_wait3A_55 : memref<32768xf32, #tpu.memory_space<hbm>>) dst(%arg6 : memref<32768xf32, #tpu.memory_space<vmem>>)
        tpu.yield
      }) : () -> ()
      %parallel_loop3A = arith.constant 0 : i32
      %parallel_loop3A_52 = arith.constant 2048 : i32
      %parallel_loop3A_53 = arith.constant 1 : i32
      scf.for %parallel_loop3A_54 = %parallel_loop3A to %parallel_loop3A_52 step %parallel_loop3A_53  : i32 {
        %parallel_loop3A_55 = arith.constant 64 : i32
        %parallel_loop3A_56 = arith.remsi %parallel_loop3A_54, %parallel_loop3A_55 : i32
        %parallel_loop3A_57 = arith.constant 16 : i32
        %parallel_loop3A_58 = arith.muli %parallel_loop3A_54, %parallel_loop3A_57 : i32
        %parallel_loop3A_59 = arith.index_cast %parallel_loop3A_58 : i32 to index
        %parallel_loop3A_60 = tpu.vector_load %arg6[%parallel_loop3A_59] {strides = array<i32>} : memref<32768xf32, #tpu.memory_space<vmem>>, vector<16xf32>,
        %parallel_loop3A_61 = vector.shape_cast %parallel_loop3A_60 : vector<16xf32> to vector<16xf32>
        %parallel_loop3A_62 = arith.constant 16 : i32
        %parallel_loop3A_63 = arith.muli %parallel_loop3A_56, %parallel_loop3A_62 : i32
        %parallel_loop3A_64 = arith.constant 1024 : i32
        %parallel_loop3A_65 = arith.addi %parallel_loop3A_64, %parallel_loop3A_63 : i32
        %parallel_loop3A_66 = arith.index_cast %parallel_loop3A_65 : i32 to index
        %parallel_loop3A_67 = tpu.vector_load %arg5[%parallel_loop3A_66] {strides = array<i32>} : memref<3072xf32, #tpu.memory_space<vmem>>, vector<16xf32>,
        %parallel_loop3A_68 = vector.shape_cast %parallel_loop3A_67 : vector<16xf32> to vector<16xf32>
        %parallel_loop3A_69 = arith.addf %parallel_loop3A_61, %parallel_loop3A_68 : vector<16xf32>
        %parallel_loop3A_70 = arith.index_cast %parallel_loop3A_58 : i32 to index
        %parallel_loop3A_71 = tpu.vector_load %arg6[%parallel_loop3A_70] {strides = array<i32>} : memref<32768xf32, #tpu.memory_space<vmem>>, vector<16xf32>,
        %parallel_loop3A_72 = vector.shape_cast %parallel_loop3A_71 : vector<16xf32> to vector<16xf32>
        %parallel_loop3A_73 = vector.shape_cast %parallel_loop3A_69 : vector<16xf32> to vector<16xf32>
        tpu.vector_store %arg6[%parallel_loop3A_70], %parallel_loop3A_73 {strides = array<i32>} : memref<32768xf32, #tpu.memory_space<vmem>>, vector<16xf32>,
      } {sc.loop_unroll_factor = 8 : i64, sc.parallel_access}
      "tpu.region"() ({
        %run_scoped3A = tpu.sem_alloc : memref<!tpu.dma_semaphore, #tpu.memory_space<semaphore_mem>>
        %dma_start3A = tpu.memref_slice %arg4[%mul3A_51] : memref<6291456xf32, #tpu.memory_space<hbm>> -> memref<32768xf32, #tpu.memory_space<hbm>>
        %dma_start3A_54 = tpu.memref_slice %arg4[%mul3A_51] : memref<6291456xf32, #tpu.memory_space<hbm>> -> memref<32768xf32, #tpu.memory_space<hbm>>
        tpu.enqueue_dma source(%arg6 : memref<32768xf32, #tpu.memory_space<vmem>>) target(%dma_start3A_54 : memref<32768xf32, #tpu.memory_space<hbm>>) target_semaphore(%run_scoped3A : memref<!tpu.dma_semaphore, #tpu.memory_space<semaphore_mem>>)
        %dma_wait3A = tpu.memref_slice %arg4[%mul3A_51] : memref<6291456xf32, #tpu.memory_space<hbm>> -> memref<32768xf32, #tpu.memory_space<hbm>>
        %dma_wait3A_55 = tpu.memref_slice %arg4[%mul3A_51] : memref<6291456xf32, #tpu.memory_space<hbm>> -> memref<32768xf32, #tpu.memory_space<hbm>>
        tpu.wait_dma2 semaphore(%run_scoped3A : memref<!tpu.dma_semaphore, #tpu.memory_space<semaphore_mem>>) src(%arg6 : memref<32768xf32, #tpu.memory_space<vmem>>) dst(%dma_wait3A_55 : memref<32768xf32, #tpu.memory_space<hbm>>)
        tpu.yield
      }) : () -> ()
    }
    %scan3A_9 = arith.constant 2 : i32
    %scan3A_10 = arith.constant 0 : i32
    %scan3A_11 = arith.constant 2 : i32
    %scan3A_12 = arith.addi %scan3A_10, %scan3A_11 : i32
    %scan3A_13 = arith.constant 1 : i32
    scf.for %scan3A_15 = %scan3A_10 to %scan3A_12 step %scan3A_13  : i32 {
      %mul3A_16 = arith.constant 1 : i32
      %mul3A_17 = arith.muli %scan3A_15, %mul3A_16 : i32
      %add3A_18 = arith.constant 0 : i32
      %add3A_19 = arith.addi %add3A_18, %mul3A_17 : i32
      %jit3A = arith.constant 2 : i32
      %div3A = arith.divsi %add3A_19, %jit3A : i32
      %sign3A = arith.constant 0 : i32
      %sign3A_20 = arith.cmpi sgt, %add3A_19, %sign3A : i32
      %sign3A_21 = arith.extui %sign3A_20 : i1 to i32
      %sign3A_22 = arith.constant 0 : i32
      %sign3A_23 = arith.cmpi slt, %add3A_19, %sign3A_22 : i32
      %sign3A_24 = arith.extui %sign3A_23 : i1 to i32
      %sign3A_25 = arith.subi %sign3A_21, %sign3A_24 : i32
      %sign3A_26 = arith.constant 0 : i32
      %sign3A_27 = arith.cmpi sgt, %jit3A, %sign3A_26 : i32
      %sign3A_28 = arith.extui %sign3A_27 : i1 to i32
      %sign3A_29 = arith.constant 0 : i32
      %sign3A_30 = arith.cmpi slt, %jit3A, %sign3A_29 : i32
      %sign3A_31 = arith.extui %sign3A_30 : i1 to i32
      %sign3A_32 = arith.subi %sign3A_28, %sign3A_31 : i32
      %ne3A = arith.cmpi ne, %sign3A_25, %sign3A_32 : i32
      %rem3A = arith.remsi %add3A_19, %jit3A : i32
      %ne3A_33 = arith.constant 0 : i32
      %ne3A_34 = arith.cmpi ne, %rem3A, %ne3A_33 : i32
      %and3A = arith.andi %ne3A, %ne3A_34 : i1
      %sub3A = arith.constant 1 : i32
      %sub3A_35 = arith.subi %div3A, %sub3A : i32
      %select_n3A = arith.select %and3A, %sub3A_35, %div3A : i32
      %rem3A_36 = arith.constant 2 : i32
      %rem3A_37 = arith.remsi %add3A_19, %rem3A_36 : i32
      %mul3A_38 = arith.constant 3 : i32
      %mul3A_39 = arith.muli %select_n3A, %mul3A_38 : i32
      %add3A_40 = arith.constant 2 : i32
      %add3A_41 = arith.addi %mul3A_39, %add3A_40 : i32
      %mul3A_42 = arith.constant 2048 : i32
      %mul3A_43 = arith.muli %add3A_41, %mul3A_42 : i32
      %mul3A_44 = arith.constant 64 : i32
      %mul3A_45 = arith.muli %add3A, %mul3A_44 : i32
      %add3A_46 = arith.addi %mul3A_43, %mul3A_45 : i32
      %mul3A_47 = arith.constant 32 : i32
      %mul3A_48 = arith.muli %rem3A_37, %mul3A_47 : i32
      %add3A_49 = arith.addi %add3A_46, %mul3A_48 : i32
      %mul3A_50 = arith.constant 1024 : i32
      %mul3A_51 = arith.muli %add3A_49, %mul3A_50 : i32
      "tpu.region"() ({
        %run_scoped3A = tpu.sem_alloc : memref<!tpu.dma_semaphore, #tpu.memory_space<semaphore_mem>>
        %dma_start3A = tpu.memref_slice %arg2[%mul3A_51] : memref<6291456xf32, #tpu.memory_space<hbm>> -> memref<32768xf32, #tpu.memory_space<hbm>>
        %dma_start3A_54 = tpu.memref_slice %arg2[%mul3A_51] : memref<6291456xf32, #tpu.memory_space<hbm>> -> memref<32768xf32, #tpu.memory_space<hbm>>
        tpu.enqueue_dma source(%dma_start3A_54 : memref<32768xf32, #tpu.memory_space<hbm>>) target(%arg6 : memref<32768xf32, #tpu.memory_space<vmem>>) target_semaphore(%run_scoped3A : memref<!tpu.dma_semaphore, #tpu.memory_space<semaphore_mem>>)
        %dma_wait3A = tpu.memref_slice %arg2[%mul3A_51] : memref<6291456xf32, #tpu.memory_space<hbm>> -> memref<32768xf32, #tpu.memory_space<hbm>>
        %dma_wait3A_55 = tpu.memref_slice %arg2[%mul3A_51] : memref<6291456xf32, #tpu.memory_space<hbm>> -> memref<32768xf32, #tpu.memory_space<hbm>>
        tpu.wait_dma2 semaphore(%run_scoped3A : memref<!tpu.dma_semaphore, #tpu.memory_space<semaphore_mem>>) src(%dma_wait3A_55 : memref<32768xf32, #tpu.memory_space<hbm>>) dst(%arg6 : memref<32768xf32, #tpu.memory_space<vmem>>)
        tpu.yield
      }) : () -> ()
      %parallel_loop3A = arith.constant 0 : i32
      %parallel_loop3A_52 = arith.constant 2048 : i32
      %parallel_loop3A_53 = arith.constant 1 : i32
      scf.for %parallel_loop3A_54 = %parallel_loop3A to %parallel_loop3A_52 step %parallel_loop3A_53  : i32 {
        %parallel_loop3A_55 = arith.constant 64 : i32
        %parallel_loop3A_56 = arith.remsi %parallel_loop3A_54, %parallel_loop3A_55 : i32
        %parallel_loop3A_57 = arith.constant 16 : i32
        %parallel_loop3A_58 = arith.muli %parallel_loop3A_54, %parallel_loop3A_57 : i32
        %parallel_loop3A_59 = arith.index_cast %parallel_loop3A_58 : i32 to index
        %parallel_loop3A_60 = tpu.vector_load %arg6[%parallel_loop3A_59] {strides = array<i32>} : memref<32768xf32, #tpu.memory_space<vmem>>, vector<16xf32>,
        %parallel_loop3A_61 = vector.shape_cast %parallel_loop3A_60 : vector<16xf32> to vector<16xf32>
        %parallel_loop3A_62 = arith.constant 16 : i32
        %parallel_loop3A_63 = arith.muli %parallel_loop3A_56, %parallel_loop3A_62 : i32
        %parallel_loop3A_64 = arith.constant 2048 : i32
        %parallel_loop3A_65 = arith.addi %parallel_loop3A_64, %parallel_loop3A_63 : i32
        %parallel_loop3A_66 = arith.index_cast %parallel_loop3A_65 : i32 to index
        %parallel_loop3A_67 = tpu.vector_load %arg5[%parallel_loop3A_66] {strides = array<i32>} : memref<3072xf32, #tpu.memory_space<vmem>>, vector<16xf32>,
        %parallel_loop3A_68 = vector.shape_cast %parallel_loop3A_67 : vector<16xf32> to vector<16xf32>
        %parallel_loop3A_69 = arith.addf %parallel_loop3A_61, %parallel_loop3A_68 : vector<16xf32>
        %parallel_loop3A_70 = arith.index_cast %parallel_loop3A_58 : i32 to index
        %parallel_loop3A_71 = tpu.vector_load %arg6[%parallel_loop3A_70] {strides = array<i32>} : memref<32768xf32, #tpu.memory_space<vmem>>, vector<16xf32>,
        %parallel_loop3A_72 = vector.shape_cast %parallel_loop3A_71 : vector<16xf32> to vector<16xf32>
        %parallel_loop3A_73 = vector.shape_cast %parallel_loop3A_69 : vector<16xf32> to vector<16xf32>
        tpu.vector_store %arg6[%parallel_loop3A_70], %parallel_loop3A_73 {strides = array<i32>} : memref<32768xf32, #tpu.memory_space<vmem>>, vector<16xf32>,
      } {sc.loop_unroll_factor = 8 : i64, sc.parallel_access}
      "tpu.region"() ({
        %run_scoped3A = tpu.sem_alloc : memref<!tpu.dma_semaphore, #tpu.memory_space<semaphore_mem>>
        %dma_start3A = tpu.memref_slice %arg4[%mul3A_51] : memref<6291456xf32, #tpu.memory_space<hbm>> -> memref<32768xf32, #tpu.memory_space<hbm>>
        %dma_start3A_54 = tpu.memref_slice %arg4[%mul3A_51] : memref<6291456xf32, #tpu.memory_space<hbm>> -> memref<32768xf32, #tpu.memory_space<hbm>>
        tpu.enqueue_dma source(%arg6 : memref<32768xf32, #tpu.memory_space<vmem>>) target(%dma_start3A_54 : memref<32768xf32, #tpu.memory_space<hbm>>) target_semaphore(%run_scoped3A : memref<!tpu.dma_semaphore, #tpu.memory_space<semaphore_mem>>)
        %dma_wait3A = tpu.memref_slice %arg4[%mul3A_51] : memref<6291456xf32, #tpu.memory_space<hbm>> -> memref<32768xf32, #tpu.memory_space<hbm>>
        %dma_wait3A_55 = tpu.memref_slice %arg4[%mul3A_51] : memref<6291456xf32, #tpu.memory_space<hbm>> -> memref<32768xf32, #tpu.memory_space<hbm>>
        tpu.wait_dma2 semaphore(%run_scoped3A : memref<!tpu.dma_semaphore, #tpu.memory_space<semaphore_mem>>) src(%arg6 : memref<32768xf32, #tpu.memory_space<vmem>>) dst(%dma_wait3A_55 : memref<32768xf32, #tpu.memory_space<hbm>>)
        tpu.yield
      }) : () -> ()
    }
    %scan3A_14 = arith.constant 2 : i32
    return
  }
}

module attributes {stable_mosaic.version = 14 : i64} {
  func.func @_add_row_kernel(%arg0: i32, %arg1: i32, %arg2: memref<1x2048x1024xf32, #tpu.memory_space<vmem>>, %arg3: memref<1x1x1024xf32, #tpu.memory_space<vmem>>, %arg4: memref<1x2048x1024xf32, #tpu.memory_space<vmem>>) attributes {dimension_semantics = [#tpu.dimension_semantics<arbitrary>, #tpu.dimension_semantics<arbitrary>], iteration_bounds = array<i64: 21, 1>, scalar_prefetch = 0 : i64, scratch_operands = 0 : i64, tpu.core_type = #tpu.core_type<tc>, window_params = [{transform_indices = @transform_0, window_bounds = array<i64: 1, 2048, 1024>}, {transform_indices = @transform_1, window_bounds = array<i64: 1, 1, 1024>}, {transform_indices = @transform_2, window_bounds = array<i64: 1, 2048, 1024>}]} {
    %get3A = arith.constant 0 : index
    %get3A_0 = arith.constant 0 : index
    %get3A_1 = arith.constant 0 : index
    %get3A_2 = vector.load %arg2[%get3A, %get3A_0, %get3A_1] : memref<1x2048x1024xf32, #tpu.memory_space<vmem>>, vector<1x2048x1024xf32>
    %get3A_3 = arith.constant 0 : index
    %get3A_4 = arith.constant 0 : index
    %get3A_5 = arith.constant 0 : index
    %get3A_6 = vector.load %arg3[%get3A_3, %get3A_4, %get3A_5] : memref<1x1x1024xf32, #tpu.memory_space<vmem>>, vector<1x1x1024xf32>
    %add3A = vector.broadcast %get3A_6 : vector<1x1x1024xf32> to vector<1x2048x1024xf32>
    %add3A_7 = arith.addf %get3A_2, %add3A : vector<1x2048x1024xf32>
    %swap3A = arith.constant 0 : index
    %swap3A_8 = arith.constant 0 : index
    %swap3A_9 = arith.constant 0 : index
    %swap3A_10 = vector.load %arg4[%swap3A, %swap3A_8, %swap3A_9] : memref<1x2048x1024xf32, #tpu.memory_space<vmem>>, vector<1x2048x1024xf32>
    tpu.vector_store %arg4[%swap3A, %swap3A_8, %swap3A_9], %add3A_7 {strides = array<i32>} : memref<1x2048x1024xf32, #tpu.memory_space<vmem>>, vector<1x2048x1024xf32>,
    return
  }
  func.func @transform_0(%arg0: i32, %arg1: i32) -> (i32, i32, i32) {
    %c0_i32 = arith.constant 0 : i32
    %c0_i32_0 = arith.constant 0 : i32
    return %arg0, %arg1, %c0_i32 : i32, i32, i32
  }
  func.func @transform_1(%arg0: i32, %arg1: i32) -> (i32, i32, i32) {
    %jit3A = arith.constant 3 : i32
    %eq3A = arith.constant 0 : i32
    %eq3A_0 = arith.cmpi eq, %jit3A, %eq3A : i32
    %jit3A_1 = arith.constant 1 : i32
    %select_n3A = arith.select %eq3A_0, %jit3A_1, %jit3A : i32
    %rem3A = arith.remsi %arg0, %select_n3A : i32
    %ne3A = arith.constant 0 : i32
    %ne3A_2 = arith.cmpi ne, %rem3A, %ne3A : i32
    %lt3A = arith.constant 0 : i32
    %lt3A_3 = arith.cmpi slt, %rem3A, %lt3A : i32
    %lt3A_4 = arith.constant 0 : i32
    %lt3A_5 = arith.cmpi slt, %select_n3A, %lt3A_4 : i32
    %ne3A_6 = arith.xori %lt3A_3, %lt3A_5 : i1
    %and3A = arith.andi %ne3A_6, %ne3A_2 : i1
    %add3A = arith.addi %rem3A, %select_n3A : i32
    %select_n3A_7 = arith.select %and3A, %add3A, %rem3A : i32
    %c0_i32 = arith.constant 0 : i32
    %c0_i32_8 = arith.constant 0 : i32
    %c0_i32_9 = arith.constant 0 : i32
    return %select_n3A_7, %c0_i32, %c0_i32_8 : i32, i32, i32
  }
  func.func @transform_2(%arg0: i32, %arg1: i32) -> (i32, i32, i32) {
    %c0_i32 = arith.constant 0 : i32
    %c0_i32_0 = arith.constant 0 : i32
    return %arg0, %arg1, %c0_i32 : i32, i32, i32
  }
}

</mosaic_0001>

<sc_bundles>
// kernel: kernel.4.cloned.1.call-start
scs
__scs_entry_jumppad:
0x0: {  	(pc) =	sbr.rel $0x88, $3  }
0x1: {  	(tag) =	ssettag $0x0;
	lr =	simm.s32 $0x1  }
0x2: {  	[smem:$0x3F9F] =	sst lr;
	_ =	strace $0xD0000000  }
0x3: {  	_ = 	snop  }
0x4: {  	_ = 	snop  }
0x5: {  	_ = 	snop  }
0x6: {  	_ = 	snop  }
0x7: {  	_ = 	snop  }
__scs_overlays_trampoline_lowered:
0x8: {  	[smem:$0x3FAE] =	sst s0  }
0x9: {  	[smem:$0x3FAF] =	sst s1  }
0xa: {  	[smem:$0x3FB0] =	sst s2  }
0xb: {  	[smem:$0x3FB1] =	sst s3  }
0xc: {  	[smem:$0x3FB2] =	sst s4  }
0xd: {  	[smem:$0x3FB3] =	sst s5  }
0xe: {  	[smem:$0x3FB4] =	sst s6  }
0xf: {  	[smem:$0x3FB5] =	sst s7  }
0x10: {  	[smem:$0x3FB6] =	sst s8  }
0x11: {  	[smem:$0x3FB7] =	sst s9;
	s0 =	simm.s32 @!p0 $0x0  }
0x12: {  	s1 =	sld [smem:$0x3F9D];
	s0 =	simm.s32 @p0 $0x1  }
0x13: {  	[smem:$0x3FB8] =	sst s0;
	s0 =	simm.s32 @!p1 $0x0  }
0x14: {  	s2 =	sld [smem:$0x3F9C];
	s0 =	simm.s32 @p1 $0x1  }
0x15: {  	[smem:$0x3FB9] =	sst s0;
	s0 =	simm.s32 @!p2 $0x0  }
0x16: {  	s3 =	sld [smem:$0x3FDB];
	s0 =	simm.s32 @p2 $0x1  }
0x17: {  	s4 =	simm.s32 $0x1BF5;
	[smem:$0x3FBB] =	sst s0  }
0x18: {  	s0 =	sld [smem:$0x3F9E];
	_ =	swait.ge [sflag:s4], $0x0  }
0x19: {  	s7 =	sld [smem:$0x3F9F]  }
0x1a: {  	s8 =	sadd.s32 $0xFFFFE003, lr  }
0x1b: {  	s9 =	sadd.s32 $0xFFFFFEF7, lr;
	s5 =	simm.s32 $0xFFFFFFFF;
	p2 =	slt.u32 s8, $0xFFFFF086  }
0x1c: {  	p1 =	slt.u32 s9, $0xF7A;
	s5 =	simm.s32 @!p2 $0x0  }
0x1d: {  	s5 =	simm.s32 @p1 $0x1;
	p0 =	seq.s32 s7, s2  }
0x1e: {  	s7 =	smul.u32 @!p0 $0xF7A, s2;
	p2 =	seq.s32 @!p0 s5, $0x0  }
0x1f: {  	s9 =	smul.u32 $0xF7A, s1;
	s8 =	simm.s32 @!p0 $0x1BF5;
	p2 =	por !p2, p0  }
0x20: {  	[sflag:s8] =	ssyncset.s32 @!p0 $0xFFFFF086;
	s6 =	sadd.s32 @!p0 s3, s7;
	s7 =	simm.s32 @!p0 $0x108  }
0x21: {  	s3 =	sadd.s32 s3, s9;
	s6 =	sadd.s32 @!p0 $0x88, s6;
	s7 =	simm.s32 @p2 $0x1082  }
0x22: {  	[simem:s7], [sflag:s8] =	dma.local @!p0 [hbm:s6], $0xF7A  }
0x23: {  	s9 =	sor.u32 $0xD0000000, s2;
	s6 =	simm.s32 $0x108;
	_ =	swait.ge @!p0 [sflag:s8], $0x0  }
0x24: {  	s3 =	sadd.s32 $0x88, s3;
	s6 =	simm.s32 @!p1 $0x1082;
	[sflag:s4] =	ssyncset.s32 $0xFFFFF086  }
0x25: {  	[simem:s6], [sflag:s4] =	dma.local [hbm:s3], $0xF7A  }
0x26: {  	[smem:$0x3F9F] =	sst s1;
	(tag) =	ssettag s2;
	_ =	strace s9  }
0x27: {  	s1 =	sld [smem:$0x3FAF]  }
0x28: {  	s2 =	sld [smem:$0x3FB0]  }
0x29: {  	s4 =	sld [smem:$0x3FB2]  }
0x2a: {  	p0 =	seq.s32 s5, $0x0;
	s5 =	sld [smem:$0x3FB3]  }
0x2b: {  	s6 =	sld [smem:$0x3FB4]  }
0x2c: {  	s7 =	sld [smem:$0x3FB5]  }
0x2d: {  	s3 =	simm.s32 $0x108;
	s8 =	sld [smem:$0x3FB6]  }
0x2e: {  	s3 =	simm.s32 @!p0 $0x1082;
	s9 =	sld [smem:$0x3FB7]  }
0x2f: {  	lr =	sadd.s32 s0, s3;
	s0 =	sld [smem:$0x3FAE]  }
0x30: {  	s3 =	sld [smem:$0x3FB1]  }
0x31: {  	[smem:$0x3FBA] =	sst s10  }
0x32: {  	s10 =	sld [smem:$0x3FB8];
	_ =	sdelay $0x3  }
0x33: {  	p0 =	seq.s32 s10, $0x1;
	s10 =	sld [smem:$0x3FBA];
	_ =	sdelay $0x3  }
0x34: {  	[smem:$0x3FBA] =	sst s10  }
0x35: {  	s10 =	sld [smem:$0x3FB9];
	_ =	sdelay $0x3  }
0x36: {  	p1 =	seq.s32 s10, $0x1;
	s10 =	sld [smem:$0x3FBA];
	_ =	sdelay $0x3  }
0x37: {  	[smem:$0x3FBA] =	sst s10  }
0x38: {  	s10 =	sld [smem:$0x3FBB]  }
0x39: {  	_ = 	snop;
	(pc) =	sbr.ind lr, $3  }
0x3a: {  	_ = 	snop  }
0x3b: {  	_ = 	snop  }
0x3c: {  	p2 =	seq.s32 s10, $0x1;
	s10 =	sld [smem:$0x3FBA]  }
0x3d: {  	_ =	shalt  }
0x3e: {  	_ =	shalt  }
0x3f: {  	_ =	shalt  }
0x40: {  	_ =	shalt  }
0x41: {  	_ =	shalt  }
0x42: {  	_ =	shalt  }
0x43: {  	_ =	shalt  }
0x44: {  	_ =	shalt  }
0x45: {  	_ =	shalt  }
0x46: {  	_ =	shalt  }
0x47: {  	_ =	shalt  }
0x48: {  	_ =	shalt  }
0x49: {  	_ =	shalt  }
0x4a: {  	_ =	shalt  }
0x4b: {  	_ =	shalt  }
0x4c: {  	_ =	shalt  }
0x4d: {  	_ =	shalt  }
0x4e: {  	_ =	shalt  }
0x4f: {  	_ =	shalt  }
0x50: {  	_ =	shalt  }
0x51: {  	_ =	shalt  }
0x52: {  	_ =	shalt  }
0x53: {  	_ =	shalt  }
0x54: {  	_ =	shalt  }
0x55: {  	_ =	shalt  }
0x56: {  	_ =	shalt  }
0x57: {  	_ =	shalt  }
0x58: {  	_ =	shalt  }
0x59: {  	_ =	shalt  }
0x5a: {  	_ =	shalt  }
0x5b: {  	_ =	shalt  }
0x5c: {  	_ =	shalt  }
0x5d: {  	_ =	shalt  }
0x5e: {  	_ =	shalt  }
0x5f: {  	_ =	shalt  }
0x60: {  	_ =	shalt  }
0x61: {  	_ =	shalt  }
0x62: {  	_ =	shalt  }
0x63: {  	_ =	shalt  }
0x64: {  	_ =	shalt  }
0x65: {  	_ =	shalt  }
0x66: {  	_ =	shalt  }
0x67: {  	_ =	shalt  }
0x68: {  	_ =	shalt  }
0x69: {  	_ =	shalt  }
0x6a: {  	_ =	shalt  }
0x6b: {  	_ =	shalt  }
0x6c: {  	_ =	shalt  }
0x6d: {  	_ =	shalt  }
0x6e: {  	_ =	shalt  }
0x6f: {  	_ =	shalt  }
0x70: {  	_ =	shalt  }
0x71: {  	_ =	shalt  }
0x72: {  	_ =	shalt  }
0x73: {  	_ =	shalt  }
0x74: {  	_ =	shalt  }
0x75: {  	_ =	shalt  }
0x76: {  	_ =	shalt  }
0x77: {  	_ =	shalt  }
0x78: {  	_ =	shalt  }
0x79: {  	_ =	shalt  }
0x7a: {  	_ =	shalt  }
0x7b: {  	_ =	shalt  }
0x7c: {  	_ =	shalt  }
0x7d: {  	_ =	shalt  }
0x7e: {  	_ =	shalt  }
0x7f: {  	_ =	shalt  }
0x80: {  	_ =	shalt  }
0x81: {  	_ =	shalt  }
0x82: {  	_ =	shalt  }
0x83: {  	_ =	shalt  }
0x84: {  	_ =	shalt  }
0x85: {  	_ =	shalt  }
0x86: {  	_ =	shalt  }
0x87: {  	_ =	shalt  }
.Lfunc_end0:
.L_simem_size_0:
called_computation_lowered:
.L_overlay_start_0:
0x88: {  	s2 =	sld [smem:$0x3FD9]  }
0x89: {  	s3 =	sld [smem:$0x3FFE];
	_ =	sdelay $0x1  }
0x8a: {  	s1 =	srdreg.scid  }
0x8b: {  	s0 =	sand.u32 $0x1, s1  }
0x8c: {  	s16 =	sshll.u32 s0, $0xA;
	s2 =	sadd.s32 s3, s2  }
0x8d: {  	s2 =	sadd.s32 s2, s16  }
0x8e: {  	[smem:$0x3FC6] =	sst s2  }
0x8f: {  	_ = 	snop  }
0x90: {  	(tm) =	ssettm $0x1  }
0x91: {  	s17 =	sld [smem:$0x3FFB];
	_ =	sdelay $0x3  }
0x92: {  	_ =	strace s17  }
0x93: {  	s2 =	sld [smem:$0x3FFC];
	_ =	sdelay $0x3  }
0x94: {  	_ =	strace s2  }
0x95: {  	s2 =	sld [smem:$0x3FFD];
	_ =	sdelay $0x3  }
0x96: {  	_ =	strace s2  }
0x97: {  	_ =	strace $0x8FFFFFFF  }
0x98: {  	s18 =	sld [smem:$0x3FDB];
	_ =	sdelay $0x1  }
0x99: {  	s19 =	simm.s32 $_scs_section_size  }
0x9a: {  	s4 =	simm.s32 $_size__tile_overlayer_lowered;
	s5 =	simm.s32 $_tile_overlayer_lowered  }
0x9b: {  	s22 =	simm.s32 $0x1BFF;
	s21 =	sshll.u32 s5, $0x1;
	s2 =	sadd.s32 s19, s18  }
0x9c: {  	s6 =	simm.s32 $0x0;
	s20 =	sshll.u32 s4, $0x1;
	s4 =	sadd.s32 s21, s2  }
0x9d: {  	[timem:s6], [sflag:s22] =	dma.local [hbm:s4], s20  }
0x9e: {  	_ =	swait.ge [sflag:s22], s20  }
0x9f: {  	s3 =	ssub.s32 $0x0, s20;
	[sflag:s22] =	ssyncset.done $0x0  }
0xa0: {  	[sflag:s22] =	ssyncadd.s32 s3;
	_ =	sdelay $0x1  }
0xa1: {  	s23 =	simm.s32 $0x1B8B  }
0xa2: {  	_ =	swait.ge [sflag:s23], $0x1  }
0xa3: {  	[sflag:s23] =	ssyncset.done $0x0  }
0xa4: {  	s25 =	simm.s32 $0x1B8E;
	s24 =	sld [smem:$0x3FFE];
	[sflag:s23] =	ssyncadd.s32 $0xFFFFFFFF  }
0xa5: {  	s26 =	simm.s32 $execute0_lowered;
	[smem:$0x3FD2] =	sst s25  }
0xa6: {  	s4 =	sshll.u32 s26, $0x1;
	_ =	strace $0x80000046;
	[dreg:$0x1] =	wrdreg $0xFFFFFFFF  }
0xa7: {  	s28 =	simm.s32 $_size_execute0_lowered;
	s2 =	sadd.s32 s2, s4;
	[dreg:$0x0] =	wrdreg $0x0  }
0xa8: {  	s4 =	sshll.u32 s28, $0x1;
	[dreg:$0x2] =	wrdreg s2  }
0xa9: {  	[dreg:$0x3] =	wrdreg s4  }
0xaa: {  	[dreg:$0x4] =	wrdreg $0xC0  }
0xab: {  	_ =	task [dreg:s6], $0x5FFFF  }
0xac: {  	[dreg:$0x1] =	wrdreg $0xFFFFFFFF  }
0xad: {  	[dreg:$0x0] =	wrdreg $0x60  }
0xae: {  	[dreg:$0x2] =	wrdreg s24  }
0xaf: {  	[dreg:$0x3] =	wrdreg $0x9  }
0xb0: {  	_ =	task.clear_ibuf [dreg:s6], $0x4FFFF;
	_ =	strace $0x90000046  }
0xb1: {  	s29 =	simm.s32 $0x9;
	_ =	strace $0x80000048  }
0xb2: {  	_ =	swait.ge [sflag:s29], $0x1  }
0xb3: {  	[sflag:s29] =	ssyncadd.s32 $0xFFFFFFFF  }
0xb4: {  	_ =	strace $0x90000048  }
0xb5: {  	_ =	sfence  }
0xb6: {  	s30 =	sld [smem:$0x0];
	_ =	sdelay $0x2  }
0xb7: {  	s31 =	sshll.u32 s1, $0xD;
	s1 =	sshrl.u32 s1, $0x2  }
0xb8: {  	s3 =	sand.u32 $0x4000, s31;
	s1 =	sadd.s32 s1, s30  }
0xb9: {  	s0 =	sor.u32 s3, s0;
	s1 =	sshll.u32 s1, $0x11  }
0xba: {  	s0 =	sor.u32 s1, s0  }
0xbb: {  	s0 =	sadd.s32 $0x8F2B, s0  }
0xbc: {  	[sflag:s0] =	ssyncadd.remote.s32 $0x1  }
0xbd: {  	_ =	sfence.sel $0xFFFF  }
0xbe: {  	[dreg:$0x0] =	wrdreg $0xFFFFFFFF;
	(pc) =	sbr.abs _section_cstart, $3  }
0xbf: {  	[dreg:$0x1] =	wrdreg $0xFFFFFFFF  }
0xc0: {  	_ =	task.clear_ibuf [dreg:s6], $0x2FFFF;
	_ =	strace $0x9FFFFFFF  }
0xc1: {  	(tm) =	ssettm $0x7FFFFFFF  }
tec
execute0_lowered:
.L_overlay_start_1:
0x0: {  	(tag) =	ssettag $0x1  }
0x1: {  	s4 =	rddreg [dreg:$0x0]  }
0x2: {  	s0 =	rddreg [dreg:$0x1]  }
0x3: {  	s1 =	simm.s32 $0x0;
	s2 =	srdreg.scid;
	s19 =	simm.s32 $0x0  }
0x4: {  	[smem:$0x7FF] =	sst s1;
	s16 =	sadd.s32 $0x800, s4;
	s5 =	sand.u32 $0x1, s2  }
0x5: {  	s3 =	sadd.s32 $0x600, s4;
	s2 =	stileid.u32;
	s15 =	sadd.s32 $0xC0800, s4  }
0x6: {  	s6 =	ssub.s32 $0x2, s5;
	s8 =	sshll.u32 s2, $0xE;
	s5 =	sshll.u32 s5, $0xD  }
0x7: {  	_ =	strace $0x80000047;
	s7 =	sshrl.u32 s6, $0x1;
	s11 =	sor.u32 s5, s8  }
0x8: {  	s6 =	ssub.s32 s6, s7;
	s12 =	sor.u32 $0x40000, s11;
	s17 =	sor.u32 $0x80000, s11  }
0x9: {  	s18 =	sor.u32 $0x81000, s11;
	s9 =	sor.u32 $0x1000, s11;
	s7 =	sadd.s32 s15, s11  }
0xa: {  	s13 =	sor.u32 $0x41000, s11;
	s4 =	sadd.s32 s15, s18;
	s5 =	smax.u32 s6, $0x1  }
0xb: {  	s6 =	sadd.s32 s16, s11;
	s8 =	sadd.s32 s16, s9;
	s9 =	sadd.s32 s15, s9  }
0xc: {  	s10 =	sadd.s32 s16, s12;
	s11 =	sadd.s32 s15, s12;
	s12 =	sadd.s32 s16, s13  }
0xd: {  	s13 =	sadd.s32 s15, s13;
	s14 =	sadd.s32 s16, s17;
	s15 =	sadd.s32 s15, s17  }
0xe: {  	s16 =	sadd.s32 s16, s18;
	s17 =	simm.s32 $0x1;
	s18 =	simm.s32 $0xC00  }
.LBB2_1:
0xf: {  	[tilespmem:s1], [sflag:$0x1] =	stream.linear.gather [hbm4b:s3+s1], $0xC00, $0x38;
	[tilespmem:$0x8C00] =	vst v63  }
0x10: {  	_ =	swait.ge [sflag:s17], $0xC00  }
0x11: {  	[sflag:s17] =	ssyncset.done $0x0  }
0x12: {  	[sflag:s17] =	ssyncadd.s32 $0xFFFFF400  }
0x13: {  	[tilespmem:s18], [sflag:$0x1] =	stream.linear.gather [hbm4b:s6+s1], $0x8000, $0x38;
	[tilespmem:$0x8C00] =	vst v63  }
0x14: {  	_ =	swait.ge [sflag:s17], $0x8000  }
0x15: {  	[sflag:s17] =	ssyncset.done $0x0  }
0x16: {  	s20 =	simm.s32 $0x0;
	s21 =	simm.s32 $0x0;
	[sflag:s17] =	ssyncadd.s32 $0xFFFF8000  }
0x17: {  	s21 =	sand.u32 $0x380, s21;
	v6 =	vld [tilespmem:s20+$0xC70]  }
0x18: {  	v7 =	vld [tilespmem:s21+$0x70]  }
0x19: {  	v11 =	vld [tilespmem:s21+$0x0]  }
0x1a: {  	v5 =	vld [tilespmem:s21+$0x10]  }
0x1b: {  	v4 =	vld [tilespmem:s21+$0x20]  }
0x1c: {  	v3 =	vld [tilespmem:s21+$0x30]  }
0x1d: {  	v1 =	vld [tilespmem:s21+$0x40]  }
0x1e: {  	v2 =	vld [tilespmem:s21+$0x50]  }
0x1f: {  	v0 =	vld [tilespmem:s21+$0x60]  }
0x20: {  	v12 =	vld [tilespmem:s20+$0xC00]  }
0x21: {  	v10 =	vld [tilespmem:s20+$0xC10]  }
0x22: {  	v9 =	vld [tilespmem:s20+$0xC20]  }
0x23: {  	v8 =	vld [tilespmem:s20+$0xC30];
	v7 =	vadd.f32 v7, v6  }
0x24: {  	v6 =	vld [tilespmem:s20+$0xC40]  }
0x25: {  	s22 =	simm.s32 $0x200;
	s21 =	simm.s32 $0x0;
	v11 =	vadd.f32 v11, v12;
	[tilespmem:s20+$0xC70] =	vst v7;
	v7 =	vld [tilespmem:s20+$0xC50]  }
.LBB2_2:
0x26: {  	s23 =	sshra.s32 s22, $0x2;
	s24 =	sshrl.u32 s22, $0x2;
	s21 =	sadd.s32 $0x8, s21;
	v5 =	vadd.f32 v5, v10;
	v10 =	vld [tilespmem:s20+$0xC60]  }
0x27: {  	s24 =	sand.u32 $0x380, s24;
	v12 =	vld [tilespmem:s23+$0xC70];
	p0 =	slt.u32 s21, $0x7F8;
	[tilespmem:s20+$0xC00] =	vst v11;
	v4 =	vadd.f32 v4, v9  }
0x28: {  	v9 =	vld [tilespmem:s24+$0x70];
	[tilespmem:s20+$0xC10] =	vst v5;
	v3 =	vadd.f32 v3, v8  }
0x29: {  	v11 =	vld [tilespmem:s24+$0x0];
	[tilespmem:s20+$0xC20] =	vst v4;
	v1 =	vadd.f32 v1, v6  }
0x2a: {  	v5 =	vld [tilespmem:s24+$0x10];
	[tilespmem:s20+$0xC30] =	vst v3;
	v2 =	vadd.f32 v2, v7  }
0x2b: {  	v4 =	vld [tilespmem:s24+$0x20];
	[tilespmem:s20+$0xC40] =	vst v1;
	v0 =	vadd.f32 v0, v10  }
0x2c: {  	v3 =	vld [tilespmem:s24+$0x30];
	[tilespmem:s20+$0xC50] =	vst v2  }
0x2d: {  	v1 =	vld [tilespmem:s24+$0x40];
	v6 =	vadd.f32 v9, v12;
	[tilespmem:s20+$0xC60] =	vst v0;
	s20 =	smov.u32 s23  }
0x2e: {  	v2 =	vld [tilespmem:s24+$0x50]  }
0x2f: {  	v0 =	vld [tilespmem:s24+$0x60];
	[tilespmem:s20+$0xC70] =	vst v6  }
0x30: {  	v7 =	vld [tilespmem:s20+$0xC00]  }
.Ltmp0:
0x31: {  	v10 =	vld [tilespmem:s20+$0xC10];
	(pc) =	sbr.rel @p0 .LBB2_2-.Ltmp0, $4  }
0x32: {  	v9 =	vld [tilespmem:s20+$0xC20]  }
0x33: {  	v8 =	vld [tilespmem:s20+$0xC30]  }
0x34: {  	v6 =	vld [tilespmem:s20+$0xC40]  }
0x35: {  	s22 =	sadd.s32 $0x200, s22;
	v11 =	vadd.f32 v11, v7;
	v7 =	vld [tilespmem:s20+$0xC50]  }
0x36: {  	v5 =	vadd.f32 v5, v10;
	v10 =	vld [tilespmem:s20+$0xC60]  }
0x37: {  	[tilespmem:s20+$0xC00] =	vst v11;
	v4 =	vadd.f32 v4, v9  }
0x38: {  	[tilespmem:s20+$0xC10] =	vst v5;
	v3 =	vadd.f32 v3, v8  }
0x39: {  	[tilespmem:s20+$0xC20] =	vst v4;
	v1 =	vadd.f32 v1, v6  }
0x3a: {  	[tilespmem:s20+$0xC30] =	vst v3;
	v2 =	vadd.f32 v2, v7  }
0x3b: {  	[tilespmem:s20+$0xC40] =	vst v1;
	v0 =	vadd.f32 v0, v10  }
0x3c: {  	[tilespmem:s20+$0xC50] =	vst v2  }
0x3d: {  	s31 =	simm.s32 $0x0;
	[tilespmem:s20+$0xC60] =	vst v0  }
0x3e: {  	[hbm4b:s7+s31] =	stream.linear.scatter [tilespmem:s18], [sflag:$0x1], $0x8000, $0x38;
	[tilespmem:$0x8C00] =	vst v63  }
0x3f: {  	_ =	swait.ge [sflag:s17], $0x8000  }
0x40: {  	[sflag:s17] =	ssyncset.done $0x0  }
0x41: {  	[sflag:s17] =	ssyncadd.s32 $0xFFFF8000  }
0x42: {  	[tilespmem:s18], [sflag:$0x1] =	stream.linear.gather [hbm4b:s8+s31], $0x8000, $0x38;
	[tilespmem:$0x8C00] =	vst v63  }
0x43: {  	_ =	swait.ge [sflag:s17], $0x8000  }
0x44: {  	[sflag:s17] =	ssyncset.done $0x0  }
0x45: {  	s21 =	simm.s32 $0x0;
	s20 =	simm.s32 $0x0;
	[sflag:s17] =	ssyncadd.s32 $0xFFFF8000  }
0x46: {  	s21 =	sand.u32 $0x380, s21;
	v6 =	vld [tilespmem:s20+$0xC70]  }
0x47: {  	v7 =	vld [tilespmem:s21+$0x70]  }
0x48: {  	v11 =	vld [tilespmem:s21+$0x0]  }
0x49: {  	v5 =	vld [tilespmem:s21+$0x10]  }
0x4a: {  	v4 =	vld [tilespmem:s21+$0x20]  }
0x4b: {  	v3 =	vld [tilespmem:s21+$0x30]  }
0x4c: {  	v1 =	vld [tilespmem:s21+$0x40]  }
0x4d: {  	v2 =	vld [tilespmem:s21+$0x50]  }
0x4e: {  	v0 =	vld [tilespmem:s21+$0x60]  }
0x4f: {  	v12 =	vld [tilespmem:s20+$0xC00]  }
0x50: {  	v10 =	vld [tilespmem:s20+$0xC10]  }
0x51: {  	v9 =	vld [tilespmem:s20+$0xC20]  }
0x52: {  	v8 =	vld [tilespmem:s20+$0xC30];
	v7 =	vadd.f32 v7, v6  }
0x53: {  	v6 =	vld [tilespmem:s20+$0xC40]  }
0x54: {  	s22 =	simm.s32 $0x200;
	s21 =	simm.s32 $0x0;
	v11 =	vadd.f32 v11, v12;
	[tilespmem:s20+$0xC70] =	vst v7;
	v7 =	vld [tilespmem:s20+$0xC50]  }
.LBB2_4:
0x55: {  	s23 =	sshra.s32 s22, $0x2;
	s24 =	sshrl.u32 s22, $0x2;
	s21 =	sadd.s32 $0x8, s21;
	v5 =	vadd.f32 v5, v10;
	v10 =	vld [tilespmem:s20+$0xC60]  }
0x56: {  	s24 =	sand.u32 $0x380, s24;
	v12 =	vld [tilespmem:s23+$0xC70];
	p0 =	slt.u32 s21, $0x7F8;
	[tilespmem:s20+$0xC00] =	vst v11;
	v4 =	vadd.f32 v4, v9  }
0x57: {  	v9 =	vld [tilespmem:s24+$0x70];
	[tilespmem:s20+$0xC10] =	vst v5;
	v3 =	vadd.f32 v3, v8  }
0x58: {  	v11 =	vld [tilespmem:s24+$0x0];
	[tilespmem:s20+$0xC20] =	vst v4;
	v1 =	vadd.f32 v1, v6  }
0x59: {  	v5 =	vld [tilespmem:s24+$0x10];
	[tilespmem:s20+$0xC30] =	vst v3;
	v2 =	vadd.f32 v2, v7  }
0x5a: {  	v4 =	vld [tilespmem:s24+$0x20];
	[tilespmem:s20+$0xC40] =	vst v1;
	v0 =	vadd.f32 v0, v10  }
0x5b: {  	v3 =	vld [tilespmem:s24+$0x30];
	[tilespmem:s20+$0xC50] =	vst v2  }
0x5c: {  	v1 =	vld [tilespmem:s24+$0x40];
	v6 =	vadd.f32 v9, v12;
	[tilespmem:s20+$0xC60] =	vst v0;
	s20 =	smov.u32 s23  }
0x5d: {  	v2 =	vld [tilespmem:s24+$0x50]  }
0x5e: {  	v0 =	vld [tilespmem:s24+$0x60];
	[tilespmem:s20+$0xC70] =	vst v6  }
0x5f: {  	v7 =	vld [tilespmem:s20+$0xC00]  }
.Ltmp1:
0x60: {  	v10 =	vld [tilespmem:s20+$0xC10];
	(pc) =	sbr.rel @p0 .LBB2_4-.Ltmp1, $4  }
0x61: {  	v9 =	vld [tilespmem:s20+$0xC20]  }
0x62: {  	v8 =	vld [tilespmem:s20+$0xC30]  }
0x63: {  	v6 =	vld [tilespmem:s20+$0xC40]  }
0x64: {  	s22 =	sadd.s32 $0x200, s22;
	v11 =	vadd.f32 v11, v7;
	v7 =	vld [tilespmem:s20+$0xC50]  }
0x65: {  	v5 =	vadd.f32 v5, v10;
	v10 =	vld [tilespmem:s20+$0xC60]  }
0x66: {  	[tilespmem:s20+$0xC00] =	vst v11;
	v4 =	vadd.f32 v4, v9  }
0x67: {  	[tilespmem:s20+$0xC10] =	vst v5;
	v3 =	vadd.f32 v3, v8  }
0x68: {  	[tilespmem:s20+$0xC20] =	vst v4;
	v1 =	vadd.f32 v1, v6  }
0x69: {  	[tilespmem:s20+$0xC30] =	vst v3;
	v2 =	vadd.f32 v2, v7  }
0x6a: {  	[tilespmem:s20+$0xC40] =	vst v1;
	v0 =	vadd.f32 v0, v10  }
0x6b: {  	[tilespmem:s20+$0xC50] =	vst v2  }
0x6c: {  	[tilespmem:s20+$0xC60] =	vst v0;
	s20 =	simm.s32 $0x0  }
0x6d: {  	[hbm4b:s9+s20] =	stream.linear.scatter [tilespmem:s18], [sflag:$0x1], $0x8000, $0x38;
	[tilespmem:$0x8C00] =	vst v63  }
0x6e: {  	_ =	swait.ge [sflag:s17], $0x8000  }
0x6f: {  	[sflag:s17] =	ssyncset.done $0x0  }
0x70: {  	[sflag:s17] =	ssyncadd.s32 $0xFFFF8000  }
0x71: {  	[tilespmem:s18], [sflag:$0x1] =	stream.linear.gather [hbm4b:s10+s20], $0x8000, $0x38;
	[tilespmem:$0x8C00] =	vst v63  }
0x72: {  	_ =	swait.ge [sflag:s17], $0x8000  }
0x73: {  	[sflag:s17] =	ssyncset.done $0x0  }
0x74: {  	s22 =	sand.u32 $0x380, s20;
	[sflag:s17] =	ssyncadd.s32 $0xFFFF8000  }
0x75: {  	v7 =	vld [tilespmem:s22+$0x410]  }
0x76: {  	v5 =	vld [tilespmem:s22+$0x420]  }
0x77: {  	v4 =	vld [tilespmem:s22+$0x430]  }
0x78: {  	v2 =	vld [tilespmem:s22+$0x440]  }
0x79: {  	v1 =	vld [tilespmem:s22+$0x450]  }
0x7a: {  	v0 =	vld [tilespmem:s22+$0x460]  }
0x7b: {  	s21 =	simm.s32 $0x0;
	s23 =	sand.u32 $0xE00, s20;
	v3 =	vld [tilespmem:s22+$0x470]  }
0x7c: {  	s31 =	sshrl.u32 s23, $0x2;
	v11 =	vld [tilespmem:s21+$0xC00]  }
0x7d: {  	v12 =	vld [tilespmem:s31+$0x400]  }
0x7e: {  	v13 =	vld [tilespmem:s21+$0xC10]  }
0x7f: {  	v10 =	vld [tilespmem:s21+$0xC20]  }
0x80: {  	v9 =	vld [tilespmem:s21+$0xC30]  }
0x81: {  	v8 =	vld [tilespmem:s21+$0xC40]  }
0x82: {  	v6 =	vld [tilespmem:s21+$0xC50];
	v12 =	vadd.f32 v12, v11  }
0x83: {  	s23 =	simm.s32 $0x80;
	s22 =	simm.s32 $0x0;
	v11 =	vadd.f32 v7, v13;
	v7 =	vld [tilespmem:s21+$0xC60]  }
.LBB2_6:
0x84: {  	s24 =	sand.u32 $0x380, s23;
	[tilespmem:s21+$0xC00] =	vst v12;
	v10 =	vadd.f32 v5, v10;
	v12 =	vld [tilespmem:s21+$0xC70]  }
0x85: {  	v13 =	vld [tilespmem:s24+$0x410];
	[tilespmem:s21+$0xC10] =	vst v11;
	v9 =	vadd.f32 v4, v9  }
0x86: {  	v5 =	vld [tilespmem:s24+$0x420];
	[tilespmem:s21+$0xC20] =	vst v10;
	v8 =	vadd.f32 v2, v8  }
0x87: {  	v4 =	vld [tilespmem:s24+$0x430];
	[tilespmem:s21+$0xC30] =	vst v9;
	v6 =	vadd.f32 v1, v6  }
0x88: {  	v2 =	vld [tilespmem:s24+$0x440];
	[tilespmem:s21+$0xC40] =	vst v8;
	v7 =	vadd.f32 v0, v7  }
0x89: {  	v1 =	vld [tilespmem:s24+$0x450];
	[tilespmem:s21+$0xC50] =	vst v6;
	v6 =	vadd.f32 v3, v12  }
0x8a: {  	s20 =	sadd.s32 $0x200, s20;
	v0 =	vld [tilespmem:s24+$0x460];
	[tilespmem:s21+$0xC60] =	vst v7  }
0x8b: {  	s22 =	sadd.s32 $0x8, s22;
	s25 =	sand.u32 $0xE00, s20;
	v3 =	vld [tilespmem:s24+$0x470];
	[tilespmem:s21+$0xC70] =	vst v6;
	s21 =	sshra.s32 s20, $0x2  }
0x8c: {  	p0 =	slt.u32 s22, $0x7F8;
	s24 =	sshrl.u32 s25, $0x2;
	v6 =	vld [tilespmem:s21+$0xC00]  }
0x8d: {  	v7 =	vld [tilespmem:s24+$0x400]  }
0x8e: {  	v11 =	vld [tilespmem:s21+$0xC10]  }
.Ltmp2:
0x8f: {  	v10 =	vld [tilespmem:s21+$0xC20];
	(pc) =	sbr.rel @p0 .LBB2_6-.Ltmp2, $4  }
0x90: {  	v9 =	vld [tilespmem:s21+$0xC30]  }
0x91: {  	v8 =	vld [tilespmem:s21+$0xC40]  }
0x92: {  	v12 =	vadd.f32 v7, v6;
	v6 =	vld [tilespmem:s21+$0xC50]  }
0x93: {  	s23 =	sadd.s32 $0x80, s23;
	v11 =	vadd.f32 v13, v11;
	v7 =	vld [tilespmem:s21+$0xC60]  }
0x94: {  	[tilespmem:s21+$0xC00] =	vst v12;
	v5 =	vadd.f32 v5, v10;
	v10 =	vld [tilespmem:s21+$0xC70]  }
0x95: {  	[tilespmem:s21+$0xC10] =	vst v11;
	v4 =	vadd.f32 v4, v9  }
0x96: {  	[tilespmem:s21+$0xC20] =	vst v5;
	v2 =	vadd.f32 v2, v8  }
0x97: {  	[tilespmem:s21+$0xC30] =	vst v4;
	v1 =	vadd.f32 v1, v6  }
0x98: {  	[tilespmem:s21+$0xC40] =	vst v2;
	v0 =	vadd.f32 v0, v7  }
0x99: {  	[tilespmem:s21+$0xC50] =	vst v1;
	v1 =	vadd.f32 v3, v10  }
0x9a: {  	[tilespmem:s21+$0xC60] =	vst v0  }
0x9b: {  	s20 =	simm.s32 $0x0;
	[tilespmem:s21+$0xC70] =	vst v1  }
0x9c: {  	[hbm4b:s11+s20] =	stream.linear.scatter [tilespmem:s18], [sflag:$0x1], $0x8000, $0x38;
	[tilespmem:$0x8C00] =	vst v63  }
0x9d: {  	_ =	swait.ge [sflag:s17], $0x8000  }
0x9e: {  	[sflag:s17] =	ssyncset.done $0x0  }
0x9f: {  	[sflag:s17] =	ssyncadd.s32 $0xFFFF8000  }
0xa0: {  	[tilespmem:s18], [sflag:$0x1] =	stream.linear.gather [hbm4b:s12+s20], $0x8000, $0x38;
	[tilespmem:$0x8C00] =	vst v63  }
0xa1: {  	_ =	swait.ge [sflag:s17], $0x8000  }
0xa2: {  	[sflag:s17] =	ssyncset.done $0x0  }
0xa3: {  	s22 =	sand.u32 $0x380, s20;
	[sflag:s17] =	ssyncadd.s32 $0xFFFF8000  }
0xa4: {  	v7 =	vld [tilespmem:s22+$0x410]  }
0xa5: {  	v5 =	vld [tilespmem:s22+$0x420]  }
0xa6: {  	v4 =	vld [tilespmem:s22+$0x430]  }
0xa7: {  	v2 =	vld [tilespmem:s22+$0x440]  }
0xa8: {  	v1 =	vld [tilespmem:s22+$0x450]  }
0xa9: {  	v0 =	vld [tilespmem:s22+$0x460]  }
0xaa: {  	s23 =	sand.u32 $0xE00, s20;
	s21 =	simm.s32 $0x0;
	v3 =	vld [tilespmem:s22+$0x470]  }
0xab: {  	s31 =	sshrl.u32 s23, $0x2;
	v11 =	vld [tilespmem:s21+$0xC00]  }
0xac: {  	v12 =	vld [tilespmem:s31+$0x400]  }
0xad: {  	v13 =	vld [tilespmem:s21+$0xC10]  }
0xae: {  	v10 =	vld [tilespmem:s21+$0xC20]  }
0xaf: {  	v9 =	vld [tilespmem:s21+$0xC30]  }
0xb0: {  	v8 =	vld [tilespmem:s21+$0xC40]  }
0xb1: {  	v6 =	vld [tilespmem:s21+$0xC50];
	v12 =	vadd.f32 v12, v11  }
0xb2: {  	s23 =	simm.s32 $0x80;
	s22 =	simm.s32 $0x0;
	v11 =	vadd.f32 v7, v13;
	v7 =	vld [tilespmem:s21+$0xC60]  }
.LBB2_8:
0xb3: {  	s24 =	sand.u32 $0x380, s23;
	[tilespmem:s21+$0xC00] =	vst v12;
	v10 =	vadd.f32 v5, v10;
	v12 =	vld [tilespmem:s21+$0xC70]  }
0xb4: {  	v13 =	vld [tilespmem:s24+$0x410];
	[tilespmem:s21+$0xC10] =	vst v11;
	v9 =	vadd.f32 v4, v9  }
0xb5: {  	v5 =	vld [tilespmem:s24+$0x420];
	[tilespmem:s21+$0xC20] =	vst v10;
	v8 =	vadd.f32 v2, v8  }
0xb6: {  	v4 =	vld [tilespmem:s24+$0x430];
	[tilespmem:s21+$0xC30] =	vst v9;
	v6 =	vadd.f32 v1, v6  }
0xb7: {  	v2 =	vld [tilespmem:s24+$0x440];
	[tilespmem:s21+$0xC40] =	vst v8;
	v7 =	vadd.f32 v0, v7  }
0xb8: {  	v1 =	vld [tilespmem:s24+$0x450];
	[tilespmem:s21+$0xC50] =	vst v6;
	v6 =	vadd.f32 v3, v12  }
0xb9: {  	s20 =	sadd.s32 $0x200, s20;
	v0 =	vld [tilespmem:s24+$0x460];
	[tilespmem:s21+$0xC60] =	vst v7  }
0xba: {  	s22 =	sadd.s32 $0x8, s22;
	s25 =	sand.u32 $0xE00, s20;
	v3 =	vld [tilespmem:s24+$0x470];
	[tilespmem:s21+$0xC70] =	vst v6;
	s21 =	sshra.s32 s20, $0x2  }
0xbb: {  	p0 =	slt.u32 s22, $0x7F8;
	s24 =	sshrl.u32 s25, $0x2;
	v6 =	vld [tilespmem:s21+$0xC00]  }
0xbc: {  	v7 =	vld [tilespmem:s24+$0x400]  }
0xbd: {  	v11 =	vld [tilespmem:s21+$0xC10]  }
.Ltmp3:
0xbe: {  	v10 =	vld [tilespmem:s21+$0xC20];
	(pc) =	sbr.rel @p0 .LBB2_8-.Ltmp3, $4  }
0xbf: {  	v9 =	vld [tilespmem:s21+$0xC30]  }
0xc0: {  	v8 =	vld [tilespmem:s21+$0xC40]  }
0xc1: {  	v12 =	vadd.f32 v7, v6;
	v6 =	vld [tilespmem:s21+$0xC50]  }
0xc2: {  	s23 =	sadd.s32 $0x80, s23;
	v11 =	vadd.f32 v13, v11;
	v7 =	vld [tilespmem:s21+$0xC60]  }
0xc3: {  	[tilespmem:s21+$0xC00] =	vst v12;
	v5 =	vadd.f32 v5, v10;
	v10 =	vld [tilespmem:s21+$0xC70]  }
0xc4: {  	[tilespmem:s21+$0xC10] =	vst v11;
	v4 =	vadd.f32 v4, v9  }
0xc5: {  	[tilespmem:s21+$0xC20] =	vst v5;
	v2 =	vadd.f32 v2, v8  }
0xc6: {  	[tilespmem:s21+$0xC30] =	vst v4;
	v1 =	vadd.f32 v1, v6  }
0xc7: {  	[tilespmem:s21+$0xC40] =	vst v2;
	v0 =	vadd.f32 v0, v7  }
0xc8: {  	[tilespmem:s21+$0xC50] =	vst v1;
	v1 =	vadd.f32 v3, v10  }
0xc9: {  	[tilespmem:s21+$0xC60] =	vst v0  }
0xca: {  	s20 =	simm.s32 $0x0;
	[tilespmem:s21+$0xC70] =	vst v1  }
0xcb: {  	[hbm4b:s13+s20] =	stream.linear.scatter [tilespmem:s18], [sflag:$0x1], $0x8000, $0x38;
	[tilespmem:$0x8C00] =	vst v63  }
0xcc: {  	_ =	swait.ge [sflag:s17], $0x8000  }
0xcd: {  	[sflag:s17] =	ssyncset.done $0x0  }
0xce: {  	[sflag:s17] =	ssyncadd.s32 $0xFFFF8000  }
0xcf: {  	[tilespmem:s18], [sflag:$0x1] =	stream.linear.gather [hbm4b:s14+s20], $0x8000, $0x38;
	[tilespmem:$0x8C00] =	vst v63  }
0xd0: {  	_ =	swait.ge [sflag:s17], $0x8000  }
0xd1: {  	[sflag:s17] =	ssyncset.done $0x0  }
0xd2: {  	s22 =	sand.u32 $0x380, s20;
	[sflag:s17] =	ssyncadd.s32 $0xFFFF8000  }
0xd3: {  	v7 =	vld [tilespmem:s22+$0x810]  }
0xd4: {  	v5 =	vld [tilespmem:s22+$0x820]  }
0xd5: {  	v4 =	vld [tilespmem:s22+$0x830]  }
0xd6: {  	v2 =	vld [tilespmem:s22+$0x840]  }
0xd7: {  	v1 =	vld [tilespmem:s22+$0x850]  }
0xd8: {  	v0 =	vld [tilespmem:s22+$0x860]  }
0xd9: {  	s23 =	sand.u32 $0xE00, s20;
	s21 =	simm.s32 $0x0;
	v3 =	vld [tilespmem:s22+$0x870]  }
0xda: {  	s31 =	sshrl.u32 s23, $0x2;
	v11 =	vld [tilespmem:s21+$0xC00]  }
0xdb: {  	v12 =	vld [tilespmem:s31+$0x800]  }
0xdc: {  	v13 =	vld [tilespmem:s21+$0xC10]  }
0xdd: {  	v10 =	vld [tilespmem:s21+$0xC20]  }
0xde: {  	v9 =	vld [tilespmem:s21+$0xC30]  }
0xdf: {  	v8 =	vld [tilespmem:s21+$0xC40]  }
0xe0: {  	v6 =	vld [tilespmem:s21+$0xC50];
	v12 =	vadd.f32 v12, v11  }
0xe1: {  	s23 =	simm.s32 $0x80;
	s22 =	simm.s32 $0x0;
	v11 =	vadd.f32 v7, v13;
	v7 =	vld [tilespmem:s21+$0xC60]  }
.LBB2_10:
0xe2: {  	s24 =	sand.u32 $0x380, s23;
	[tilespmem:s21+$0xC00] =	vst v12;
	v10 =	vadd.f32 v5, v10;
	v12 =	vld [tilespmem:s21+$0xC70]  }
0xe3: {  	v13 =	vld [tilespmem:s24+$0x810];
	[tilespmem:s21+$0xC10] =	vst v11;
	v9 =	vadd.f32 v4, v9  }
0xe4: {  	v5 =	vld [tilespmem:s24+$0x820];
	[tilespmem:s21+$0xC20] =	vst v10;
	v8 =	vadd.f32 v2, v8  }
0xe5: {  	v4 =	vld [tilespmem:s24+$0x830];
	[tilespmem:s21+$0xC30] =	vst v9;
	v6 =	vadd.f32 v1, v6  }
0xe6: {  	v2 =	vld [tilespmem:s24+$0x840];
	[tilespmem:s21+$0xC40] =	vst v8;
	v7 =	vadd.f32 v0, v7  }
0xe7: {  	v1 =	vld [tilespmem:s24+$0x850];
	[tilespmem:s21+$0xC50] =	vst v6;
	v6 =	vadd.f32 v3, v12  }
0xe8: {  	s20 =	sadd.s32 $0x200, s20;
	v0 =	vld [tilespmem:s24+$0x860];
	[tilespmem:s21+$0xC60] =	vst v7  }
0xe9: {  	s22 =	sadd.s32 $0x8, s22;
	s25 =	sand.u32 $0xE00, s20;
	v3 =	vld [tilespmem:s24+$0x870];
	[tilespmem:s21+$0xC70] =	vst v6;
	s21 =	sshra.s32 s20, $0x2  }
0xea: {  	p0 =	slt.u32 s22, $0x7F8;
	s24 =	sshrl.u32 s25, $0x2;
	v6 =	vld [tilespmem:s21+$0xC00]  }
0xeb: {  	v7 =	vld [tilespmem:s24+$0x800]  }
0xec: {  	v11 =	vld [tilespmem:s21+$0xC10]  }
.Ltmp4:
0xed: {  	v10 =	vld [tilespmem:s21+$0xC20];
	(pc) =	sbr.rel @p0 .LBB2_10-.Ltmp4, $4  }
0xee: {  	v9 =	vld [tilespmem:s21+$0xC30]  }
0xef: {  	v8 =	vld [tilespmem:s21+$0xC40]  }
0xf0: {  	v12 =	vadd.f32 v7, v6;
	v6 =	vld [tilespmem:s21+$0xC50]  }
0xf1: {  	s23 =	sadd.s32 $0x80, s23;
	v11 =	vadd.f32 v13, v11;
	v7 =	vld [tilespmem:s21+$0xC60]  }
0xf2: {  	[tilespmem:s21+$0xC00] =	vst v12;
	v5 =	vadd.f32 v5, v10;
	v10 =	vld [tilespmem:s21+$0xC70]  }
0xf3: {  	[tilespmem:s21+$0xC10] =	vst v11;
	v4 =	vadd.f32 v4, v9  }
0xf4: {  	[tilespmem:s21+$0xC20] =	vst v5;
	v2 =	vadd.f32 v2, v8  }
0xf5: {  	[tilespmem:s21+$0xC30] =	vst v4;
	v1 =	vadd.f32 v1, v6  }
0xf6: {  	[tilespmem:s21+$0xC40] =	vst v2;
	v0 =	vadd.f32 v0, v7  }
0xf7: {  	[tilespmem:s21+$0xC50] =	vst v1;
	v1 =	vadd.f32 v3, v10  }
0xf8: {  	[tilespmem:s21+$0xC60] =	vst v0  }
0xf9: {  	s20 =	simm.s32 $0x0;
	[tilespmem:s21+$0xC70] =	vst v1  }
0xfa: {  	[hbm4b:s15+s20] =	stream.linear.scatter [tilespmem:s18], [sflag:$0x1], $0x8000, $0x38;
	[tilespmem:$0x8C00] =	vst v63  }
0xfb: {  	_ =	swait.ge [sflag:s17], $0x8000  }
0xfc: {  	[sflag:s17] =	ssyncset.done $0x0  }
0xfd: {  	[sflag:s17] =	ssyncadd.s32 $0xFFFF8000  }
0xfe: {  	[tilespmem:s18], [sflag:$0x1] =	stream.linear.gather [hbm4b:s16+s20], $0x8000, $0x38;
	[tilespmem:$0x8C00] =	vst v63  }
0xff: {  	_ =	swait.ge [sflag:s17], $0x8000  }
0x100: {  	[sflag:s17] =	ssyncset.done $0x0  }
0x101: {  	s22 =	sand.u32 $0x380, s20;
	[sflag:s17] =	ssyncadd.s32 $0xFFFF8000  }
0x102: {  	v7 =	vld [tilespmem:s22+$0x810]  }
0x103: {  	v5 =	vld [tilespmem:s22+$0x820]  }
0x104: {  	v4 =	vld [tilespmem:s22+$0x830]  }
0x105: {  	v2 =	vld [tilespmem:s22+$0x840]  }
0x106: {  	v1 =	vld [tilespmem:s22+$0x850]  }
0x107: {  	v0 =	vld [tilespmem:s22+$0x860]  }
0x108: {  	s23 =	sand.u32 $0xE00, s20;
	s21 =	simm.s32 $0x0;
	v3 =	vld [tilespmem:s22+$0x870]  }
0x109: {  	s31 =	sshrl.u32 s23, $0x2;
	v11 =	vld [tilespmem:s21+$0xC00]  }
0x10a: {  	v12 =	vld [tilespmem:s31+$0x800]  }
0x10b: {  	v13 =	vld [tilespmem:s21+$0xC10]  }
0x10c: {  	v10 =	vld [tilespmem:s21+$0xC20]  }
0x10d: {  	v9 =	vld [tilespmem:s21+$0xC30]  }
0x10e: {  	v8 =	vld [tilespmem:s21+$0xC40]  }
0x10f: {  	v6 =	vld [tilespmem:s21+$0xC50];
	v12 =	vadd.f32 v12, v11  }
0x110: {  	s23 =	simm.s32 $0x80;
	s22 =	simm.s32 $0x0;
	v11 =	vadd.f32 v7, v13;
	v7 =	vld [tilespmem:s21+$0xC60]  }
.LBB2_12:
0x111: {  	s24 =	sand.u32 $0x380, s23;
	[tilespmem:s21+$0xC00] =	vst v12;
	v10 =	vadd.f32 v5, v10;
	v12 =	vld [tilespmem:s21+$0xC70]  }
0x112: {  	v13 =	vld [tilespmem:s24+$0x810];
	[tilespmem:s21+$0xC10] =	vst v11;
	v9 =	vadd.f32 v4, v9  }
0x113: {  	v5 =	vld [tilespmem:s24+$0x820];
	[tilespmem:s21+$0xC20] =	vst v10;
	v8 =	vadd.f32 v2, v8  }
0x114: {  	v4 =	vld [tilespmem:s24+$0x830];
	[tilespmem:s21+$0xC30] =	vst v9;
	v6 =	vadd.f32 v1, v6  }
0x115: {  	v2 =	vld [tilespmem:s24+$0x840];
	[tilespmem:s21+$0xC40] =	vst v8;
	v7 =	vadd.f32 v0, v7  }
0x116: {  	v1 =	vld [tilespmem:s24+$0x850];
	[tilespmem:s21+$0xC50] =	vst v6;
	v6 =	vadd.f32 v3, v12  }
0x117: {  	s20 =	sadd.s32 $0x200, s20;
	v0 =	vld [tilespmem:s24+$0x860];
	[tilespmem:s21+$0xC60] =	vst v7  }
0x118: {  	s22 =	sadd.s32 $0x8, s22;
	s25 =	sand.u32 $0xE00, s20;
	v3 =	vld [tilespmem:s24+$0x870];
	[tilespmem:s21+$0xC70] =	vst v6;
	s21 =	sshra.s32 s20, $0x2  }
0x119: {  	p0 =	slt.u32 s22, $0x7F8;
	s24 =	sshrl.u32 s25, $0x2;
	v6 =	vld [tilespmem:s21+$0xC00]  }
0x11a: {  	v7 =	vld [tilespmem:s24+$0x800]  }
0x11b: {  	v11 =	vld [tilespmem:s21+$0xC10]  }
.Ltmp5:
0x11c: {  	v10 =	vld [tilespmem:s21+$0xC20];
	(pc) =	sbr.rel @p0 .LBB2_12-.Ltmp5, $4  }
0x11d: {  	v9 =	vld [tilespmem:s21+$0xC30]  }
0x11e: {  	v8 =	vld [tilespmem:s21+$0xC40]  }
0x11f: {  	v12 =	vadd.f32 v7, v6;
	v6 =	vld [tilespmem:s21+$0xC50]  }
0x120: {  	s23 =	sadd.s32 $0x80, s23;
	v11 =	vadd.f32 v13, v11;
	v7 =	vld [tilespmem:s21+$0xC60]  }
0x121: {  	[tilespmem:s21+$0xC00] =	vst v12;
	v5 =	vadd.f32 v5, v10;
	v62 =	vld [tilespmem:s21+$0xC70]  }
0x122: {  	[tilespmem:s21+$0xC10] =	vst v11;
	v4 =	vadd.f32 v4, v9  }
0x123: {  	[tilespmem:s21+$0xC20] =	vst v5;
	v2 =	vadd.f32 v2, v8  }
0x124: {  	[tilespmem:s21+$0xC30] =	vst v4;
	v1 =	vadd.f32 v1, v6  }
0x125: {  	[tilespmem:s21+$0xC40] =	vst v2;
	v0 =	vadd.f32 v0, v7  }
0x126: {  	s19 =	sadd.s32 $0x1, s19;
	[tilespmem:s21+$0xC50] =	vst v1;
	v63 =	vadd.f32 v3, v62  }
0x127: {  	p0 =	sne.s32 s19, s5;
	[tilespmem:s21+$0xC60] =	vst v0  }
.Ltmp6:
0x128: {  	[tilespmem:s21+$0xC70] =	vst v63;
	(pc) =	sbr.rel @p0 .LBB2_1-.Ltmp6, $4  }
0x129: {  	[hbm4b:s4+s1] =	stream.linear.scatter [tilespmem:s18], [sflag:$0x1], $0x8000, $0x38;
	[tilespmem:$0x8C00] =	vst v63  }
0x12a: {  	_ =	swait.ge [sflag:s17], $0x8000  }
0x12b: {  	[sflag:s17] =	ssyncset.done $0x0  }
0x12c: {  	[sflag:s17] =	ssyncadd.s32 $0xFFFF8000  }
0x12d: {  	_ =	sfence.sel $0x180000  }
0x12e: {  	[bflag:$0x0] =	sbarrier.arrive $0xFFFF  }
0x12f: {  	p0 =	sne.s32 s2, $0x0;
	_ =	strace $0x90000047  }
0x130: {  	s0 =	sadd.s32 @!p0 $0x100000, s0;
	[bflag:$0x2] =	sbarrier.arrive $0xFFFF  }
0x131: {  	[sflag:s0] =	ssyncadd.tile.s32 @!p0 $0x1;
	_ =	shalt  }
.Lfunc_end2:
_tile_overlayer_lowered:
.L_overlay_start_2:
0x132: {  	(tag) =	ssettag $0x2  }
0x133: {  	s0 =	rddreg [dreg:$0x0];
	s2 =	stileid.u32  }
0x134: {  	s1 =	rddreg [dreg:$0x1];
	p0 =	sne.s32 s2, $0x0  }
0x135: {  	s3 =	rddreg [dreg:$0x2];
	[bflag:$0x3] =	sbarrier.arrive $0xFFFF;
	s2 =	simm.s32 @!p0 $0x1C01  }
0x136: {  	[timem:s3], [sflag:s2] =	dma.local @!p0 [hbm:s0], s1  }
0x137: {  	s0 =	simm.s32 @!p0 $0x1  }
0x138: {  	_ =	swait.ge @!p0 [sflag:s0], s1  }
0x139: {  	s1 =	ssub.s32 @!p0 $0x0, s1;
	[sflag:s0] =	ssyncset.done @!p0 $0x0  }
0x13a: {  	[sflag:s0] =	ssyncadd.s32 @!p0 s1  }
0x13b: {  	[bflag:$0x3] =	sbarrier.arrive $0xFFFF  }
0x13c: {  	_ =	shalt  }

</sc_bundles>
